<compile_context>
chip_gen: v7x
topology: tpu7x:2x2x1
jax: 0.10.2.dev20260603
libtpu: 0.0.44.dev20260713+nightly
codegen_flags: <defaults>
</compile_context>

<pallas_src>
import functools

import jax
import jax.numpy as jnp
from jax import lax
from jax.experimental import pallas as pl
from jax.experimental.pallas import tpu as pltpu
from jax.experimental.pallas import tpu_sc as plsc

_DIM = 32768
_K = 4096
_BATCH = 128
_ROW_BLK = 64

_NSUB = 16
_PER_TILE = _DIM // _NSUB
_NVEC = _PER_TILE // 16


def _sc_threshold_body(wbits_hbm, out_hbm, wbuf, keybuf, hist, merge, tref,
                       outstage, shist):
    cid = lax.axis_index("c")
    sid = lax.axis_index("s")
    base = sid * _PER_TILE

    pltpu.sync_copy(wbits_hbm.at[pl.ds(base, _PER_TILE)], wbuf)

    def to_key(i, carry):
        bits = wbuf[pl.ds(i * 16, 16)]
        neg = bits >= jnp.uint32(0x80000000)
        key = jnp.where(neg, ~bits, bits | jnp.uint32(0x80000000))
        keybuf[pl.ds(i * 16, 16)] = key
        return carry

    lax.fori_loop(0, _NVEC, to_key, 0)

    zeros16 = jnp.zeros((16,), jnp.int32)
    ones16 = jnp.full((16,), 1, jnp.int32)
    iota16 = lax.iota(jnp.int32, 16)
    tref[...] = jnp.zeros((16,), jnp.uint32)

    def round_body(r, carry):
        b = (jnp.int32(28) - jnp.int32(4) * r).astype(jnp.uint32)
        t = tref[...]
        hist[pl.ds(0, 16)] = zeros16
        hist[pl.ds(16, 16)] = zeros16

        def count_body(i, c):
            key = keybuf[pl.ds(i * 16, 16)]
            valid = key >= t
            d = jnp.minimum((key - t) >> b, jnp.uint32(16)).astype(jnp.int32)
            plsc.addupdate_scatter(hist, [d], ones16, mask=valid)
            return c

        lax.fori_loop(0, _NVEC, count_body, 0)

        pltpu.sync_copy(hist, shist.at[pl.ds(sid * 32, 32)])
        plsc.subcore_barrier()
        pltpu.sync_copy(shist, merge)
        plsc.subcore_barrier()

        acc_lo = zeros16
        acc_hi = zeros16
        for row in range(_NSUB):
            acc_lo = acc_lo + merge[pl.ds(row * 32, 16)]
            acc_hi = acc_hi + merge[pl.ds(row * 32 + 16, 16)]
        over = jnp.sum(jnp.where(iota16 == 0, acc_hi, zeros16))
        sfx = lax.rev(jnp.cumsum(lax.rev(acc_lo, (0,))), (0,))
        counts = sfx + over
        sat = counts >= _K
        d_star = plsc.all_reduce_population_count(sat) - 1
        tref[...] = t | (d_star.astype(jnp.uint32) << b)
        return carry

    lax.fori_loop(0, 8, round_body, 0)

    @pl.when(jnp.logical_and(cid == 0, sid == 0))
    def _write():
        t = tref[...]
        for i in range(8):
            outstage[pl.ds(i * 16, 16)] = t
        pltpu.sync_copy(outstage, out_hbm)


def _sc_threshold(w):
    mesh = plsc.VectorSubcoreMesh(core_axis_name="c", subcore_axis_name="s")
    kern = functools.partial(
        pl.kernel,
        mesh=mesh,
        compiler_params=pltpu.CompilerParams(needs_layout_passes=False),
        out_type=jax.ShapeDtypeStruct((128,), jnp.uint32),
        scratch_types=[
            pltpu.VMEM((_PER_TILE,), jnp.uint32),
            pltpu.VMEM((_PER_TILE,), jnp.uint32),
            pltpu.VMEM((32,), jnp.int32),
            pltpu.VMEM((_NSUB * 32,), jnp.int32),
            pltpu.VMEM((16,), jnp.uint32),
            pltpu.VMEM((128,), jnp.uint32),
            pltpu.VMEM_SHARED((_NSUB * 32,), jnp.int32),
        ],
    )(_sc_threshold_body)
    return kern(w)


def _tc_mask_body(thr_ref, w_ref, x_ref, o_ref, mask_ref):
    @pl.when(pl.program_id(0) == 0)
    def _compute_mask():
        bits = lax.bitcast_convert_type(w_ref[...], jnp.uint32)
        neg = bits >= jnp.uint32(0x80000000)
        key = jnp.where(neg, ~bits, bits | jnp.uint32(0x80000000))
        mask_ref[...] = (key >= thr_ref[0]).astype(jnp.float32)

    o_ref[...] = x_ref[...] * mask_ref[...]


def kernel(inputs, w):
    wbits = lax.bitcast_convert_type(w, jnp.uint32)
    thr = _sc_threshold(wbits)
    w2 = w.reshape(1, _DIM)
    return pl.pallas_call(
        _tc_mask_body,
        grid=(_BATCH // _ROW_BLK,),
        in_specs=[
            pl.BlockSpec(memory_space=pltpu.SMEM),
            pl.BlockSpec((1, _DIM), lambda i: (0, 0)),
            pl.BlockSpec((_ROW_BLK, _DIM), lambda i: (i, 0)),
        ],
        out_specs=pl.BlockSpec((_ROW_BLK, _DIM), lambda i: (i, 0)),
        out_shape=jax.ShapeDtypeStruct((_BATCH, _DIM), jnp.float32),
        scratch_shapes=[pltpu.VMEM((1, _DIM), jnp.float32)],
    )(thr[0:1], w2, inputs)

# --- scband reference (transcript-rebuilt; emitter-appended) ---
"""Pipeline reference for scband-subsampling-layer-82815559401563 (READ-ONLY COPY).

The authoritative reference and input builder live on the scoring server;
editing this copy changes nothing except your own understanding.
"""

import jax, jax.numpy as jnp
import numpy as np

DIM = 32768
NUM_MEASUREMENTS = 4096
BATCH = 128

def setup_inputs(seed: int = 0) -> dict:
    key = jax.random.key(seed)
    k1, k2 = jax.random.split(key)
    inputs = jax.random.normal(k1, (BATCH, DIM), dtype=jnp.float32)
    # learned parameter w: original init is ones with unit_norm constraint;
    # we use a random positive vector projected to unit norm so top-k is non-degenerate
    w = jax.random.uniform(k2, (DIM,), dtype=jnp.float32, minval=0.0, maxval=1.0)
    w = w / jnp.linalg.norm(w)
    return {"inputs": inputs, "w": w}

def reference(inputs, w):
    # top_k over the weight vector
    top_k_vals, _ = jax.lax.top_k(w, NUM_MEASUREMENTS)
    threshold = jnp.min(top_k_vals)
    # mask: keep input columns where w - threshold >= 0, else 0
    masked = jnp.where(w - threshold >= 0, inputs, jnp.zeros((), dtype=inputs.dtype))
    return masked

if __name__ == "__main__":
    import jax
    _d = setup_inputs()
    print(jax.jit(kernel)(*tuple(_d.values())))

</pallas_src>

<mosaic_0001>
#map = affine_map<(d0, d1) -> (0)>
module attributes {stable_mosaic.version = 14 : i64} {
  func.func @_sc_threshold_body(%arg0: i32, %arg1: i32, %arg2: memref<32768xi32, #tpu.memory_space<hbm>>, %arg3: memref<128xi32, #tpu.memory_space<hbm>>, %arg4: memref<2048xi32, #tpu.memory_space<vmem>>, %arg5: memref<2048xi32, #tpu.memory_space<vmem>>, %arg6: memref<32xi32, #tpu.memory_space<vmem>>, %arg7: memref<512xi32, #tpu.memory_space<vmem>>, %arg8: memref<16xi32, #tpu.memory_space<vmem>>, %arg9: memref<128xi32, #tpu.memory_space<vmem>>, %arg10: memref<512xi32, #tpu.memory_space<vmem_shared>>) attributes {dimension_semantics = [#tpu.dimension_semantics<core_parallel>, #tpu.dimension_semantics<subcore_parallel>], iteration_bounds = array<i64: 2, 16>, scalar_prefetch = 0 : i64, scratch_operands = 7 : i64, tpu.core_type = #tpu.core_type<sc_vector_subcore>, window_params = [{transform_indices = #map}, {transform_indices = #map}]} {
    %mul3A = arith.constant 2048 : i32
    %mul3A_0 = arith.muli %arg1, %mul3A : i32
    "tpu.region"() ({
      %run_scoped3A = tpu.sem_alloc : memref<!tpu.dma_semaphore, #tpu.memory_space<semaphore_mem>>
      %dma_start3A = tpu.memref_slice %arg2[%mul3A_0] : memref<32768xi32, #tpu.memory_space<hbm>> -> memref<2048xi32, #tpu.memory_space<hbm>>
      %dma_start3A_22 = tpu.memref_slice %arg2[%mul3A_0] : memref<32768xi32, #tpu.memory_space<hbm>> -> memref<2048xi32, #tpu.memory_space<hbm>>
      tpu.enqueue_dma source(%dma_start3A_22 : memref<2048xi32, #tpu.memory_space<hbm>>) target(%arg4 : memref<2048xi32, #tpu.memory_space<vmem>>) target_semaphore(%run_scoped3A : memref<!tpu.dma_semaphore, #tpu.memory_space<semaphore_mem>>)
      %dma_wait3A = tpu.memref_slice %arg2[%mul3A_0] : memref<32768xi32, #tpu.memory_space<hbm>> -> memref<2048xi32, #tpu.memory_space<hbm>>
      %dma_wait3A_23 = tpu.memref_slice %arg2[%mul3A_0] : memref<32768xi32, #tpu.memory_space<hbm>> -> memref<2048xi32, #tpu.memory_space<hbm>>
      tpu.wait_dma2 semaphore(%run_scoped3A : memref<!tpu.dma_semaphore, #tpu.memory_space<semaphore_mem>>) src(%dma_wait3A_23 : memref<2048xi32, #tpu.memory_space<hbm>>) dst(%arg4 : memref<2048xi32, #tpu.memory_space<vmem>>)
      tpu.yield
    }) : () -> ()
    %scan3A = arith.constant 0 : i32
    %scan3A_1 = arith.constant 0 : i32
    %scan3A_2 = arith.constant 128 : i32
    %scan3A_3 = arith.addi %scan3A_1, %scan3A_2 : i32
    %scan3A_4 = arith.constant 1 : i32
    scf.for %scan3A_22 = %scan3A_1 to %scan3A_3 step %scan3A_4  : i32 {
      %mul3A_23 = arith.constant 16 : i32
      %mul3A_24 = arith.muli %scan3A_22, %mul3A_23 : i32
      %get3A = arith.index_cast %mul3A_24 : i32 to index
      %get3A_25 = tpu.vector_load %arg4[%get3A] {strides = array<i32>} : memref<2048xi32, #tpu.memory_space<vmem>>, vector<16xi32>,
      %ge3A = arith.constant -2147483648 : i32
      %ge3A_26 = vector.broadcast %ge3A : i32 to vector<16xi32>
      %ge3A_27 = arith.cmpi uge, %get3A_25, %ge3A_26 : vector<16xi32>
      %not3A = arith.constant dense<-1> : vector<16xi32>
      %not3A_28 = arith.xori %get3A_25, %not3A : vector<16xi32>
      %or3A = arith.constant -2147483648 : i32
      %or3A_29 = vector.broadcast %or3A : i32 to vector<16xi32>
      %or3A_30 = arith.ori %get3A_25, %or3A_29 : vector<16xi32>
      %select_n3A = arith.select %ge3A_27, %not3A_28, %or3A_30 : vector<16xi1>, vector<16xi32>
      %mul3A_31 = arith.constant 16 : i32
      %mul3A_32 = arith.muli %scan3A_22, %mul3A_31 : i32
      %swap3A_33 = arith.index_cast %mul3A_32 : i32 to index
      %swap3A_34 = tpu.vector_load %arg5[%swap3A_33] {strides = array<i32>} : memref<2048xi32, #tpu.memory_space<vmem>>, vector<16xi32>,
      tpu.vector_store %arg5[%swap3A_33], %select_n3A {strides = array<i32>} : memref<2048xi32, #tpu.memory_space<vmem>>, vector<16xi32>,
    }
    %scan3A_5 = arith.constant 128 : i32
    %broadcast_in_dim3A = arith.constant 0 : i32
    %broadcast_in_dim3A_6 = vector.broadcast %broadcast_in_dim3A : i32 to vector<16xi32>
    %broadcast_in_dim3A_7 = arith.constant 1 : i32
    %broadcast_in_dim3A_8 = vector.broadcast %broadcast_in_dim3A_7 : i32 to vector<16xi32>
    %iota3A = tpu.iota {dimensions = array<i32: 0>} : vector<16xi32>
    %broadcast_in_dim3A_9 = arith.constant 0 : i32
    %broadcast_in_dim3A_10 = vector.broadcast %broadcast_in_dim3A_9 : i32 to vector<16xi32>
    %swap3A = arith.constant 0 : index
    %swap3A_11 = tpu.vector_load %arg8[%swap3A] {strides = array<i32>} : memref<16xi32, #tpu.memory_space<vmem>>, vector<16xi32>,
    tpu.vector_store %arg8[%swap3A], %broadcast_in_dim3A_10 {strides = array<i32>} : memref<16xi32, #tpu.memory_space<vmem>>, vector<16xi32>,
    %scan3A_12 = arith.constant 0 : i32
    %scan3A_13 = arith.constant 0 : i32
    %scan3A_14 = arith.constant 8 : i32
    %scan3A_15 = arith.addi %scan3A_13, %scan3A_14 : i32
    %scan3A_16 = arith.constant 1 : i32
    scf.for %scan3A_22 = %scan3A_13 to %scan3A_15 step %scan3A_16  : i32 {
      %mul3A_23 = arith.constant 4 : i32
      %mul3A_24 = arith.muli %mul3A_23, %scan3A_22 : i32
      %sub3A = arith.constant 28 : i32
      %sub3A_25 = arith.subi %sub3A, %mul3A_24 : i32
      %get3A = arith.constant 0 : index
      %get3A_26 = tpu.vector_load %arg8[%get3A] {strides = array<i32>} : memref<16xi32, #tpu.memory_space<vmem>>, vector<16xi32>,
      %swap3A_27 = arith.constant 0 : index
      %swap3A_28 = tpu.vector_load %arg6[%swap3A_27] {strides = array<i32>} : memref<32xi32, #tpu.memory_space<vmem>>, vector<16xi32>,
      tpu.vector_store %arg6[%swap3A_27], %broadcast_in_dim3A_6 {strides = array<i32>} : memref<32xi32, #tpu.memory_space<vmem>>, vector<16xi32>,
      %swap3A_29 = arith.constant 16 : index
      %swap3A_30 = tpu.vector_load %arg6[%swap3A_29] {strides = array<i32>} : memref<32xi32, #tpu.memory_space<vmem>>, vector<16xi32>,
      tpu.vector_store %arg6[%swap3A_29], %broadcast_in_dim3A_6 {strides = array<i32>} : memref<32xi32, #tpu.memory_space<vmem>>, vector<16xi32>,
      %scan3A_31 = arith.constant 0 : i32
      %scan3A_32 = arith.constant 0 : i32
      %scan3A_33 = arith.constant 128 : i32
      %scan3A_34 = arith.addi %scan3A_32, %scan3A_33 : i32
      %scan3A_35 = arith.constant 1 : i32
      scf.for %scan3A_162 = %scan3A_32 to %scan3A_34 step %scan3A_35  : i32 {
        %mul3A_163 = arith.constant 16 : i32
        %mul3A_164 = arith.muli %scan3A_162, %mul3A_163 : i32
        %get3A_165 = arith.index_cast %mul3A_164 : i32 to index
        %get3A_166 = tpu.vector_load %arg5[%get3A_165] {strides = array<i32>} : memref<2048xi32, #tpu.memory_space<vmem>>, vector<16xi32>,
        %ge3A_167 = arith.cmpi uge, %get3A_166, %get3A_26 : vector<16xi32>
        %sub3A_168 = arith.subi %get3A_166, %get3A_26 : vector<16xi32>
        %shift_right_logical3A = vector.broadcast %sub3A_25 : i32 to vector<16xi32>
        %shift_right_logical3A_169 = arith.shrui %sub3A_168, %shift_right_logical3A : vector<16xi32>
        %min3A = arith.constant 16 : i32
        %min3A_170 = vector.broadcast %min3A : i32 to vector<16xi32>
        %min3A_171 = arith.minui %shift_right_logical3A_169, %min3A_170 : vector<16xi32>
        tpu.vector_store_idx %arg6[%min3A_171], %broadcast_in_dim3A_8 masked %ge3A_167 {add = true} : memref<32xi32, #tpu.memory_space<vmem>>[vector<16xi32>], vector<16xi32>, vector<16xi1>
      }
      %scan3A_36 = arith.constant 128 : i32
      %mul3A_37 = arith.constant 32 : i32
      %mul3A_38 = arith.muli %arg1, %mul3A_37 : i32
      "tpu.region"() ({
        %run_scoped3A = tpu.sem_alloc : memref<!tpu.dma_semaphore, #tpu.memory_space<semaphore_mem>>
        %dma_start3A = tpu.memref_slice %arg10[%mul3A_38] : memref<512xi32, #tpu.memory_space<vmem_shared>> -> memref<32xi32, #tpu.memory_space<vmem_shared>>
        %dma_start3A_162 = tpu.memref_slice %arg10[%mul3A_38] : memref<512xi32, #tpu.memory_space<vmem_shared>> -> memref<32xi32, #tpu.memory_space<vmem_shared>>
        tpu.enqueue_dma source(%arg6 : memref<32xi32, #tpu.memory_space<vmem>>) target(%dma_start3A_162 : memref<32xi32, #tpu.memory_space<vmem_shared>>) target_semaphore(%run_scoped3A : memref<!tpu.dma_semaphore, #tpu.memory_space<semaphore_mem>>)
        %dma_wait3A = tpu.memref_slice %arg10[%mul3A_38] : memref<512xi32, #tpu.memory_space<vmem_shared>> -> memref<32xi32, #tpu.memory_space<vmem_shared>>
        %dma_wait3A_163 = tpu.memref_slice %arg10[%mul3A_38] : memref<512xi32, #tpu.memory_space<vmem_shared>> -> memref<32xi32, #tpu.memory_space<vmem_shared>>
        tpu.wait_dma2 semaphore(%run_scoped3A : memref<!tpu.dma_semaphore, #tpu.memory_space<semaphore_mem>>) src(%arg6 : memref<32xi32, #tpu.memory_space<vmem>>) dst(%dma_wait3A_163 : memref<32xi32, #tpu.memory_space<vmem_shared>>)
        tpu.yield
      }) : () -> ()
      %barrier3A = arith.constant 0 : index
      tpu.barrier barrier_id(%barrier3A)
      "tpu.region"() ({
        %run_scoped3A = tpu.sem_alloc : memref<!tpu.dma_semaphore, #tpu.memory_space<semaphore_mem>>
        tpu.enqueue_dma source(%arg10 : memref<512xi32, #tpu.memory_space<vmem_shared>>) target(%arg7 : memref<512xi32, #tpu.memory_space<vmem>>) target_semaphore(%run_scoped3A : memref<!tpu.dma_semaphore, #tpu.memory_space<semaphore_mem>>)
        tpu.wait_dma2 semaphore(%run_scoped3A : memref<!tpu.dma_semaphore, #tpu.memory_space<semaphore_mem>>) src(%arg10 : memref<512xi32, #tpu.memory_space<vmem_shared>>) dst(%arg7 : memref<512xi32, #tpu.memory_space<vmem>>)
        tpu.yield
      }) : () -> ()
      %barrier3A_39 = arith.constant 0 : index
      tpu.barrier barrier_id(%barrier3A_39)
      %get3A_40 = arith.constant 0 : index
      %get3A_41 = tpu.vector_load %arg7[%get3A_40] {strides = array<i32>} : memref<512xi32, #tpu.memory_space<vmem>>, vector<16xi32>,
      %add3A = arith.addi %broadcast_in_dim3A_6, %get3A_41 : vector<16xi32>
      %get3A_42 = arith.constant 16 : index
      %get3A_43 = tpu.vector_load %arg7[%get3A_42] {strides = array<i32>} : memref<512xi32, #tpu.memory_space<vmem>>, vector<16xi32>,
      %add3A_44 = arith.addi %broadcast_in_dim3A_6, %get3A_43 : vector<16xi32>
      %get3A_45 = arith.constant 32 : index
      %get3A_46 = tpu.vector_load %arg7[%get3A_45] {strides = array<i32>} : memref<512xi32, #tpu.memory_space<vmem>>, vector<16xi32>,
      %add3A_47 = arith.addi %add3A, %get3A_46 : vector<16xi32>
      %get3A_48 = arith.constant 48 : index
      %get3A_49 = tpu.vector_load %arg7[%get3A_48] {strides = array<i32>} : memref<512xi32, #tpu.memory_space<vmem>>, vector<16xi32>,
      %add3A_50 = arith.addi %add3A_44, %get3A_49 : vector<16xi32>
      %get3A_51 = arith.constant 64 : index
      %get3A_52 = tpu.vector_load %arg7[%get3A_51] {strides = array<i32>} : memref<512xi32, #tpu.memory_space<vmem>>, vector<16xi32>,
      %add3A_53 = arith.addi %add3A_47, %get3A_52 : vector<16xi32>
      %get3A_54 = arith.constant 80 : index
      %get3A_55 = tpu.vector_load %arg7[%get3A_54] {strides = array<i32>} : memref<512xi32, #tpu.memory_space<vmem>>, vector<16xi32>,
      %add3A_56 = arith.addi %add3A_50, %get3A_55 : vector<16xi32>
      %get3A_57 = arith.constant 96 : index
      %get3A_58 = tpu.vector_load %arg7[%get3A_57] {strides = array<i32>} : memref<512xi32, #tpu.memory_space<vmem>>, vector<16xi32>,
      %add3A_59 = arith.addi %add3A_53, %get3A_58 : vector<16xi32>
      %get3A_60 = arith.constant 112 : index
      %get3A_61 = tpu.vector_load %arg7[%get3A_60] {strides = array<i32>} : memref<512xi32, #tpu.memory_space<vmem>>, vector<16xi32>,
      %add3A_62 = arith.addi %add3A_56, %get3A_61 : vector<16xi32>
      %get3A_63 = arith.constant 128 : index
      %get3A_64 = tpu.vector_load %arg7[%get3A_63] {strides = array<i32>} : memref<512xi32, #tpu.memory_space<vmem>>, vector<16xi32>,
      %add3A_65 = arith.addi %add3A_59, %get3A_64 : vector<16xi32>
      %get3A_66 = arith.constant 144 : index
      %get3A_67 = tpu.vector_load %arg7[%get3A_66] {strides = array<i32>} : memref<512xi32, #tpu.memory_space<vmem>>, vector<16xi32>,
      %add3A_68 = arith.addi %add3A_62, %get3A_67 : vector<16xi32>
      %get3A_69 = arith.constant 160 : index
      %get3A_70 = tpu.vector_load %arg7[%get3A_69] {strides = array<i32>} : memref<512xi32, #tpu.memory_space<vmem>>, vector<16xi32>,
      %add3A_71 = arith.addi %add3A_65, %get3A_70 : vector<16xi32>
      %get3A_72 = arith.constant 176 : index
      %get3A_73 = tpu.vector_load %arg7[%get3A_72] {strides = array<i32>} : memref<512xi32, #tpu.memory_space<vmem>>, vector<16xi32>,
      %add3A_74 = arith.addi %add3A_68, %get3A_73 : vector<16xi32>
      %get3A_75 = arith.constant 192 : index
      %get3A_76 = tpu.vector_load %arg7[%get3A_75] {strides = array<i32>} : memref<512xi32, #tpu.memory_space<vmem>>, vector<16xi32>,
      %add3A_77 = arith.addi %add3A_71, %get3A_76 : vector<16xi32>
      %get3A_78 = arith.constant 208 : index
      %get3A_79 = tpu.vector_load %arg7[%get3A_78] {strides = array<i32>} : memref<512xi32, #tpu.memory_space<vmem>>, vector<16xi32>,
      %add3A_80 = arith.addi %add3A_74, %get3A_79 : vector<16xi32>
      %get3A_81 = arith.constant 224 : index
      %get3A_82 = tpu.vector_load %arg7[%get3A_81] {strides = array<i32>} : memref<512xi32, #tpu.memory_space<vmem>>, vector<16xi32>,
      %add3A_83 = arith.addi %add3A_77, %get3A_82 : vector<16xi32>
      %get3A_84 = arith.constant 240 : index
      %get3A_85 = tpu.vector_load %arg7[%get3A_84] {strides = array<i32>} : memref<512xi32, #tpu.memory_space<vmem>>, vector<16xi32>,
      %add3A_86 = arith.addi %add3A_80, %get3A_85 : vector<16xi32>
      %get3A_87 = arith.constant 256 : index
      %get3A_88 = tpu.vector_load %arg7[%get3A_87] {strides = array<i32>} : memref<512xi32, #tpu.memory_space<vmem>>, vector<16xi32>,
      %add3A_89 = arith.addi %add3A_83, %get3A_88 : vector<16xi32>
      %get3A_90 = arith.constant 272 : index
      %get3A_91 = tpu.vector_load %arg7[%get3A_90] {strides = array<i32>} : memref<512xi32, #tpu.memory_space<vmem>>, vector<16xi32>,
      %add3A_92 = arith.addi %add3A_86, %get3A_91 : vector<16xi32>
      %get3A_93 = arith.constant 288 : index
      %get3A_94 = tpu.vector_load %arg7[%get3A_93] {strides = array<i32>} : memref<512xi32, #tpu.memory_space<vmem>>, vector<16xi32>,
      %add3A_95 = arith.addi %add3A_89, %get3A_94 : vector<16xi32>
      %get3A_96 = arith.constant 304 : index
      %get3A_97 = tpu.vector_load %arg7[%get3A_96] {strides = array<i32>} : memref<512xi32, #tpu.memory_space<vmem>>, vector<16xi32>,
      %add3A_98 = arith.addi %add3A_92, %get3A_97 : vector<16xi32>
      %get3A_99 = arith.constant 320 : index
      %get3A_100 = tpu.vector_load %arg7[%get3A_99] {strides = array<i32>} : memref<512xi32, #tpu.memory_space<vmem>>, vector<16xi32>,
      %add3A_101 = arith.addi %add3A_95, %get3A_100 : vector<16xi32>
      %get3A_102 = arith.constant 336 : index
      %get3A_103 = tpu.vector_load %arg7[%get3A_102] {strides = array<i32>} : memref<512xi32, #tpu.memory_space<vmem>>, vector<16xi32>,
      %add3A_104 = arith.addi %add3A_98, %get3A_103 : vector<16xi32>
      %get3A_105 = arith.constant 352 : index
      %get3A_106 = tpu.vector_load %arg7[%get3A_105] {strides = array<i32>} : memref<512xi32, #tpu.memory_space<vmem>>, vector<16xi32>,
      %add3A_107 = arith.addi %add3A_101, %get3A_106 : vector<16xi32>
      %get3A_108 = arith.constant 368 : index
      %get3A_109 = tpu.vector_load %arg7[%get3A_108] {strides = array<i32>} : memref<512xi32, #tpu.memory_space<vmem>>, vector<16xi32>,
      %add3A_110 = arith.addi %add3A_104, %get3A_109 : vector<16xi32>
      %get3A_111 = arith.constant 384 : index
      %get3A_112 = tpu.vector_load %arg7[%get3A_111] {strides = array<i32>} : memref<512xi32, #tpu.memory_space<vmem>>, vector<16xi32>,
      %add3A_113 = arith.addi %add3A_107, %get3A_112 : vector<16xi32>
      %get3A_114 = arith.constant 400 : index
      %get3A_115 = tpu.vector_load %arg7[%get3A_114] {strides = array<i32>} : memref<512xi32, #tpu.memory_space<vmem>>, vector<16xi32>,
      %add3A_116 = arith.addi %add3A_110, %get3A_115 : vector<16xi32>
      %get3A_117 = arith.constant 416 : index
      %get3A_118 = tpu.vector_load %arg7[%get3A_117] {strides = array<i32>} : memref<512xi32, #tpu.memory_space<vmem>>, vector<16xi32>,
      %add3A_119 = arith.addi %add3A_113, %get3A_118 : vector<16xi32>
      %get3A_120 = arith.constant 432 : index
      %get3A_121 = tpu.vector_load %arg7[%get3A_120] {strides = array<i32>} : memref<512xi32, #tpu.memory_space<vmem>>, vector<16xi32>,
      %add3A_122 = arith.addi %add3A_116, %get3A_121 : vector<16xi32>
      %get3A_123 = arith.constant 448 : index
      %get3A_124 = tpu.vector_load %arg7[%get3A_123] {strides = array<i32>} : memref<512xi32, #tpu.memory_space<vmem>>, vector<16xi32>,
      %add3A_125 = arith.addi %add3A_119, %get3A_124 : vector<16xi32>
      %get3A_126 = arith.constant 464 : index
      %get3A_127 = tpu.vector_load %arg7[%get3A_126] {strides = array<i32>} : memref<512xi32, #tpu.memory_space<vmem>>, vector<16xi32>,
      %add3A_128 = arith.addi %add3A_122, %get3A_127 : vector<16xi32>
      %get3A_129 = arith.constant 480 : index
      %get3A_130 = tpu.vector_load %arg7[%get3A_129] {strides = array<i32>} : memref<512xi32, #tpu.memory_space<vmem>>, vector<16xi32>,
      %add3A_131 = arith.addi %add3A_125, %get3A_130 : vector<16xi32>
      %get3A_132 = arith.constant 496 : index
      %get3A_133 = tpu.vector_load %arg7[%get3A_132] {strides = array<i32>} : memref<512xi32, #tpu.memory_space<vmem>>, vector<16xi32>,
      %add3A_134 = arith.addi %add3A_128, %get3A_133 : vector<16xi32>
      %eq3A_135 = arith.constant 0 : i32
      %eq3A_136 = vector.broadcast %eq3A_135 : i32 to vector<16xi32>
      %eq3A_137 = arith.cmpi eq, %iota3A, %eq3A_136 : vector<16xi32>
      %select_n3A = arith.select %eq3A_137, %add3A_134, %broadcast_in_dim3A_6 : vector<16xi1>, vector<16xi32>
      %reduce_sum3A = arith.constant true
      %reduce_sum3A_138 = vector.broadcast %reduce_sum3A : i1 to vector<16xi1>
      %reduce_sum3A_139 = tpu.scan <sum>, %select_n3A masked %reduce_sum3A_138 : vector<16xi32>, vector<16xi1> -> vector<16xi32>
      %reduce_sum3A_140 = vector.extract %reduce_sum3A_139[15] : i32 from vector<16xi32>
      %rev3A = arith.constant 15 : i32
      %rev3A_141 = vector.broadcast %rev3A : i32 to vector<16xi32>
      %rev3A_142 = tpu.iota {dimensions = array<i32: 0>} : vector<16xi32>
      %rev3A_143 = arith.subi %rev3A_141, %rev3A_142 : vector<16xi32>
      %rev3A_144 = tpu.dynamic_gather %add3A_131[%rev3A_143] in [0] : vector<16xi32>, vector<16xi32> -> vector<16xi32>
      %cumsum3A = arith.constant true
      %cumsum3A_145 = vector.broadcast %cumsum3A : i1 to vector<16xi1>
      %cumsum3A_146 = tpu.scan <sum>, %rev3A_144 masked %cumsum3A_145 : vector<16xi32>, vector<16xi1> -> vector<16xi32>
      %rev3A_147 = arith.constant 15 : i32
      %rev3A_148 = vector.broadcast %rev3A_147 : i32 to vector<16xi32>
      %rev3A_149 = tpu.iota {dimensions = array<i32: 0>} : vector<16xi32>
      %rev3A_150 = arith.subi %rev3A_148, %rev3A_149 : vector<16xi32>
      %rev3A_151 = tpu.dynamic_gather %cumsum3A_146[%rev3A_150] in [0] : vector<16xi32>, vector<16xi32> -> vector<16xi32>
      %add3A_152 = vector.broadcast %reduce_sum3A_140 : i32 to vector<16xi32>
      %add3A_153 = arith.addi %rev3A_151, %add3A_152 : vector<16xi32>
      %ge3A = arith.constant 4096 : i32
      %ge3A_154 = vector.broadcast %ge3A : i32 to vector<16xi32>
      %ge3A_155 = arith.cmpi sge, %add3A_153, %ge3A_154 : vector<16xi32>
      %all_reduce_population_count3A = tpu.all_reduce %ge3A_155 {dim = 0 : i64, kind = #tpu.reduction_kind<sum>} : vector<16xi1> -> vector<16xi32>
      %sub3A_156 = arith.constant 1 : i32
      %sub3A_157 = vector.broadcast %sub3A_156 : i32 to vector<16xi32>
      %sub3A_158 = arith.subi %all_reduce_population_count3A, %sub3A_157 : vector<16xi32>
      %shift_left3A = vector.broadcast %sub3A_25 : i32 to vector<16xi32>
      %shift_left3A_159 = arith.shli %sub3A_158, %shift_left3A : vector<16xi32>
      %or3A = arith.ori %get3A_26, %shift_left3A_159 : vector<16xi32>
      %swap3A_160 = arith.constant 0 : index
      %swap3A_161 = tpu.vector_load %arg8[%swap3A_160] {strides = array<i32>} : memref<16xi32, #tpu.memory_space<vmem>>, vector<16xi32>,
      tpu.vector_store %arg8[%swap3A_160], %or3A {strides = array<i32>} : memref<16xi32, #tpu.memory_space<vmem>>, vector<16xi32>,
    }
    %scan3A_17 = arith.constant 8 : i32
    %eq3A = arith.constant 0 : i32
    %eq3A_18 = arith.cmpi eq, %arg0, %eq3A : i32
    %eq3A_19 = arith.constant 0 : i32
    %eq3A_20 = arith.cmpi eq, %arg1, %eq3A_19 : i32
    %and3A = arith.andi %eq3A_18, %eq3A_20 : i1
    %convert_element_type3A = arith.extui %and3A : i1 to i32
    %cond3A = arith.constant 0 : i32
    %cond3A_21 = arith.cmpi ne, %convert_element_type3A, %cond3A : i32
    scf.if %cond3A_21 {
      %get3A = arith.constant 0 : index
      %get3A_22 = tpu.vector_load %arg8[%get3A] {strides = array<i32>} : memref<16xi32, #tpu.memory_space<vmem>>, vector<16xi32>,
      %swap3A_23 = arith.constant 0 : index
      %swap3A_24 = tpu.vector_load %arg9[%swap3A_23] {strides = array<i32>} : memref<128xi32, #tpu.memory_space<vmem>>, vector<16xi32>,
      tpu.vector_store %arg9[%swap3A_23], %get3A_22 {strides = array<i32>} : memref<128xi32, #tpu.memory_space<vmem>>, vector<16xi32>,
      %swap3A_25 = arith.constant 16 : index
      %swap3A_26 = tpu.vector_load %arg9[%swap3A_25] {strides = array<i32>} : memref<128xi32, #tpu.memory_space<vmem>>, vector<16xi32>,
      tpu.vector_store %arg9[%swap3A_25], %get3A_22 {strides = array<i32>} : memref<128xi32, #tpu.memory_space<vmem>>, vector<16xi32>,
      %swap3A_27 = arith.constant 32 : index
      %swap3A_28 = tpu.vector_load %arg9[%swap3A_27] {strides = array<i32>} : memref<128xi32, #tpu.memory_space<vmem>>, vector<16xi32>,
      tpu.vector_store %arg9[%swap3A_27], %get3A_22 {strides = array<i32>} : memref<128xi32, #tpu.memory_space<vmem>>, vector<16xi32>,
      %swap3A_29 = arith.constant 48 : index
      %swap3A_30 = tpu.vector_load %arg9[%swap3A_29] {strides = array<i32>} : memref<128xi32, #tpu.memory_space<vmem>>, vector<16xi32>,
      tpu.vector_store %arg9[%swap3A_29], %get3A_22 {strides = array<i32>} : memref<128xi32, #tpu.memory_space<vmem>>, vector<16xi32>,
      %swap3A_31 = arith.constant 64 : index
      %swap3A_32 = tpu.vector_load %arg9[%swap3A_31] {strides = array<i32>} : memref<128xi32, #tpu.memory_space<vmem>>, vector<16xi32>,
      tpu.vector_store %arg9[%swap3A_31], %get3A_22 {strides = array<i32>} : memref<128xi32, #tpu.memory_space<vmem>>, vector<16xi32>,
      %swap3A_33 = arith.constant 80 : index
      %swap3A_34 = tpu.vector_load %arg9[%swap3A_33] {strides = array<i32>} : memref<128xi32, #tpu.memory_space<vmem>>, vector<16xi32>,
      tpu.vector_store %arg9[%swap3A_33], %get3A_22 {strides = array<i32>} : memref<128xi32, #tpu.memory_space<vmem>>, vector<16xi32>,
      %swap3A_35 = arith.constant 96 : index
      %swap3A_36 = tpu.vector_load %arg9[%swap3A_35] {strides = array<i32>} : memref<128xi32, #tpu.memory_space<vmem>>, vector<16xi32>,
      tpu.vector_store %arg9[%swap3A_35], %get3A_22 {strides = array<i32>} : memref<128xi32, #tpu.memory_space<vmem>>, vector<16xi32>,
      %swap3A_37 = arith.constant 112 : index
      %swap3A_38 = tpu.vector_load %arg9[%swap3A_37] {strides = array<i32>} : memref<128xi32, #tpu.memory_space<vmem>>, vector<16xi32>,
      tpu.vector_store %arg9[%swap3A_37], %get3A_22 {strides = array<i32>} : memref<128xi32, #tpu.memory_space<vmem>>, vector<16xi32>,
      "tpu.region"() ({
        %run_scoped3A = tpu.sem_alloc : memref<!tpu.dma_semaphore, #tpu.memory_space<semaphore_mem>>
        tpu.enqueue_dma source(%arg9 : memref<128xi32, #tpu.memory_space<vmem>>) target(%arg3 : memref<128xi32, #tpu.memory_space<hbm>>) target_semaphore(%run_scoped3A : memref<!tpu.dma_semaphore, #tpu.memory_space<semaphore_mem>>)
        tpu.wait_dma2 semaphore(%run_scoped3A : memref<!tpu.dma_semaphore, #tpu.memory_space<semaphore_mem>>) src(%arg9 : memref<128xi32, #tpu.memory_space<vmem>>) dst(%arg3 : memref<128xi32, #tpu.memory_space<hbm>>)
        tpu.yield
      }) : () -> ()
    } else {
    }
    return
  }
}

module attributes {stable_mosaic.version = 14 : i64} {
  func.func @_tc_mask_body(%arg0: i32, %arg1: memref<1xi32, #tpu.memory_space<smem>>, %arg2: memref<1x32768xf32, #tpu.memory_space<vmem>>, %arg3: memref<64x32768xf32, #tpu.memory_space<vmem>>, %arg4: memref<64x32768xf32, #tpu.memory_space<vmem>>, %arg5: memref<1x32768xf32, #tpu.memory_space<vmem>>) attributes {dimension_semantics = [#tpu.dimension_semantics<arbitrary>], iteration_bounds = array<i64: 2>, scalar_prefetch = 0 : i64, scratch_operands = 1 : i64, tpu.core_type = #tpu.core_type<tc>, window_params = [{transform_indices = @transform_0, window_bounds = array<i64: 1>}, {pipeline_mode = #tpu.pipeline_mode<synchronous>, transform_indices = @transform_1, window_bounds = array<i64: 1, 32768>}, {transform_indices = @transform_2, window_bounds = array<i64: 64, 32768>}, {transform_indices = @transform_3, window_bounds = array<i64: 64, 32768>}]} {
    %eq3A = arith.constant 0 : i32
    %eq3A_0 = arith.cmpi eq, %arg0, %eq3A : i32
    %convert_element_type3A = arith.extui %eq3A_0 : i1 to i32
    %cond3A = arith.constant 0 : i32
    %cond3A_1 = arith.cmpi ne, %convert_element_type3A, %cond3A : i32
    scf.if %cond3A_1 {
      %get3A_10 = arith.constant 0 : index
      %get3A_11 = arith.constant 0 : index
      %get3A_12 = vector.load %arg2[%get3A_10, %get3A_11] : memref<1x32768xf32, #tpu.memory_space<vmem>>, vector<1x32768xf32>
      %bitcast_convert_type3A = tpu.bitcast %get3A_12 : vector<1x32768xf32> -> vector<1x32768xi32>
      %ge3A = arith.constant -2147483648 : i32
      %ge3A_13 = vector.broadcast %ge3A : i32 to vector<1x32768xi32>
      %ge3A_14 = arith.cmpi uge, %bitcast_convert_type3A, %ge3A_13 : vector<1x32768xi32>
      %not3A = arith.constant dense<-1> : vector<1x32768xi32>
      %not3A_15 = arith.xori %bitcast_convert_type3A, %not3A : vector<1x32768xi32>
      %or3A = arith.constant -2147483648 : i32
      %or3A_16 = vector.broadcast %or3A : i32 to vector<1x32768xi32>
      %or3A_17 = arith.ori %bitcast_convert_type3A, %or3A_16 : vector<1x32768xi32>
      %select_n3A = arith.select %ge3A_14, %not3A_15, %or3A_17 : vector<1x32768xi1>, vector<1x32768xi32>
      %get3A_18 = arith.constant 0 : index
      %get3A_19 = memref.load %arg1[%get3A_18] : memref<1xi32, #tpu.memory_space<smem>>
      %ge3A_20 = vector.broadcast %get3A_19 : i32 to vector<1x32768xi32>
      %ge3A_21 = arith.cmpi uge, %select_n3A, %ge3A_20 : vector<1x32768xi32>
      %convert_element_type3A_22 = arith.extui %ge3A_21 : vector<1x32768xi1> to vector<1x32768xi32>
      %convert_element_type3A_23 = arith.sitofp %convert_element_type3A_22 : vector<1x32768xi32> to vector<1x32768xf32>
      %swap3A_24 = arith.constant 0 : index
      %swap3A_25 = arith.constant 0 : index
      %swap3A_26 = vector.load %arg5[%swap3A_24, %swap3A_25] : memref<1x32768xf32, #tpu.memory_space<vmem>>, vector<1x32768xf32>
      tpu.vector_store %arg5[%swap3A_24, %swap3A_25], %convert_element_type3A_23 {strides = array<i32>} : memref<1x32768xf32, #tpu.memory_space<vmem>>, vector<1x32768xf32>,
    } else {
    }
    %get3A = arith.constant 0 : index
    %get3A_2 = arith.constant 0 : index
    %get3A_3 = vector.load %arg3[%get3A, %get3A_2] : memref<64x32768xf32, #tpu.memory_space<vmem>>, vector<64x32768xf32>
    %get3A_4 = arith.constant 0 : index
    %get3A_5 = arith.constant 0 : index
    %get3A_6 = vector.load %arg5[%get3A_4, %get3A_5] : memref<1x32768xf32, #tpu.memory_space<vmem>>, vector<1x32768xf32>
    %mul3A = vector.broadcast %get3A_6 : vector<1x32768xf32> to vector<64x32768xf32>
    %mul3A_7 = arith.mulf %get3A_3, %mul3A : vector<64x32768xf32>
    %swap3A = arith.constant 0 : index
    %swap3A_8 = arith.constant 0 : index
    %swap3A_9 = vector.load %arg4[%swap3A, %swap3A_8] : memref<64x32768xf32, #tpu.memory_space<vmem>>, vector<64x32768xf32>
    tpu.vector_store %arg4[%swap3A, %swap3A_8], %mul3A_7 {strides = array<i32>} : memref<64x32768xf32, #tpu.memory_space<vmem>>, vector<64x32768xf32>,
    return
  }
  func.func @transform_0(%arg0: i32) -> i32 {
    %c0_i32 = arith.constant 0 : i32
    %c0_i32_0 = arith.constant 0 : i32
    return %c0_i32 : i32
  }
  func.func @transform_1(%arg0: i32) -> (i32, i32) {
    %c0_i32 = arith.constant 0 : i32
    %c0_i32_0 = arith.constant 0 : i32
    %c0_i32_1 = arith.constant 0 : i32
    return %c0_i32, %c0_i32_0 : i32, i32
  }
  func.func @transform_2(%arg0: i32) -> (i32, i32) {
    %c0_i32 = arith.constant 0 : i32
    %c0_i32_0 = arith.constant 0 : i32
    return %arg0, %c0_i32 : i32, i32
  }
  func.func @transform_3(%arg0: i32) -> (i32, i32) {
    %c0_i32 = arith.constant 0 : i32
    %c0_i32_0 = arith.constant 0 : i32
    return %arg0, %c0_i32 : i32, i32
  }
}

</mosaic_0001>

<sc_bundles>
// kernel: kernel.4.cloned.1.call-start
scs
__scs_entry_jumppad:
0x0: {  	(pc) =	sbr.rel $0x88, $3  }
0x1: {  	(tag) =	ssettag $0x0;
	lr =	simm.s32 $0x1  }
0x2: {  	[smem:$0x3F9F] =	sst lr;
	_ =	strace $0xD0000000  }
0x3: {  	_ = 	snop  }
0x4: {  	_ = 	snop  }
0x5: {  	_ = 	snop  }
0x6: {  	_ = 	snop  }
0x7: {  	_ = 	snop  }
__scs_overlays_trampoline_lowered:
0x8: {  	[smem:$0x3FAE] =	sst s0  }
0x9: {  	[smem:$0x3FAF] =	sst s1  }
0xa: {  	[smem:$0x3FB0] =	sst s2  }
0xb: {  	[smem:$0x3FB1] =	sst s3  }
0xc: {  	[smem:$0x3FB2] =	sst s4  }
0xd: {  	[smem:$0x3FB3] =	sst s5  }
0xe: {  	[smem:$0x3FB4] =	sst s6  }
0xf: {  	[smem:$0x3FB5] =	sst s7  }
0x10: {  	[smem:$0x3FB6] =	sst s8  }
0x11: {  	[smem:$0x3FB7] =	sst s9;
	s0 =	simm.s32 @!p0 $0x0  }
0x12: {  	s1 =	sld [smem:$0x3F9D];
	s0 =	simm.s32 @p0 $0x1  }
0x13: {  	[smem:$0x3FB8] =	sst s0;
	s0 =	simm.s32 @!p1 $0x0  }
0x14: {  	s2 =	sld [smem:$0x3F9C];
	s0 =	simm.s32 @p1 $0x1  }
0x15: {  	[smem:$0x3FB9] =	sst s0;
	s0 =	simm.s32 @!p2 $0x0  }
0x16: {  	s3 =	sld [smem:$0x3FDB];
	s0 =	simm.s32 @p2 $0x1  }
0x17: {  	s4 =	simm.s32 $0x1BF5;
	[smem:$0x3FBB] =	sst s0  }
0x18: {  	s0 =	sld [smem:$0x3F9E];
	_ =	swait.ge [sflag:s4], $0x0  }
0x19: {  	s7 =	sld [smem:$0x3F9F]  }
0x1a: {  	s8 =	sadd.s32 $0xFFFFE003, lr  }
0x1b: {  	s9 =	sadd.s32 $0xFFFFFEF7, lr;
	s5 =	simm.s32 $0xFFFFFFFF;
	p2 =	slt.u32 s8, $0xFFFFF086  }
0x1c: {  	p1 =	slt.u32 s9, $0xF7A;
	s5 =	simm.s32 @!p2 $0x0  }
0x1d: {  	s5 =	simm.s32 @p1 $0x1;
	p0 =	seq.s32 s7, s2  }
0x1e: {  	s7 =	smul.u32 @!p0 $0xF7A, s2;
	p2 =	seq.s32 @!p0 s5, $0x0  }
0x1f: {  	s9 =	smul.u32 $0xF7A, s1;
	s8 =	simm.s32 @!p0 $0x1BF5;
	p2 =	por !p2, p0  }
0x20: {  	[sflag:s8] =	ssyncset.s32 @!p0 $0xFFFFF086;
	s6 =	sadd.s32 @!p0 s3, s7;
	s7 =	simm.s32 @!p0 $0x108  }
0x21: {  	s3 =	sadd.s32 s3, s9;
	s6 =	sadd.s32 @!p0 $0x88, s6;
	s7 =	simm.s32 @p2 $0x1082  }
0x22: {  	[simem:s7], [sflag:s8] =	dma.local @!p0 [hbm:s6], $0xF7A  }
0x23: {  	s9 =	sor.u32 $0xD0000000, s2;
	s6 =	simm.s32 $0x108;
	_ =	swait.ge @!p0 [sflag:s8], $0x0  }
0x24: {  	s3 =	sadd.s32 $0x88, s3;
	s6 =	simm.s32 @!p1 $0x1082;
	[sflag:s4] =	ssyncset.s32 $0xFFFFF086  }
0x25: {  	[simem:s6], [sflag:s4] =	dma.local [hbm:s3], $0xF7A  }
0x26: {  	[smem:$0x3F9F] =	sst s1;
	(tag) =	ssettag s2;
	_ =	strace s9  }
0x27: {  	s1 =	sld [smem:$0x3FAF]  }
0x28: {  	s2 =	sld [smem:$0x3FB0]  }
0x29: {  	s4 =	sld [smem:$0x3FB2]  }
0x2a: {  	p0 =	seq.s32 s5, $0x0;
	s5 =	sld [smem:$0x3FB3]  }
0x2b: {  	s6 =	sld [smem:$0x3FB4]  }
0x2c: {  	s7 =	sld [smem:$0x3FB5]  }
0x2d: {  	s3 =	simm.s32 $0x108;
	s8 =	sld [smem:$0x3FB6]  }
0x2e: {  	s3 =	simm.s32 @!p0 $0x1082;
	s9 =	sld [smem:$0x3FB7]  }
0x2f: {  	lr =	sadd.s32 s0, s3;
	s0 =	sld [smem:$0x3FAE]  }
0x30: {  	s3 =	sld [smem:$0x3FB1]  }
0x31: {  	[smem:$0x3FBA] =	sst s10  }
0x32: {  	s10 =	sld [smem:$0x3FB8];
	_ =	sdelay $0x3  }
0x33: {  	p0 =	seq.s32 s10, $0x1;
	s10 =	sld [smem:$0x3FBA];
	_ =	sdelay $0x3  }
0x34: {  	[smem:$0x3FBA] =	sst s10  }
0x35: {  	s10 =	sld [smem:$0x3FB9];
	_ =	sdelay $0x3  }
0x36: {  	p1 =	seq.s32 s10, $0x1;
	s10 =	sld [smem:$0x3FBA];
	_ =	sdelay $0x3  }
0x37: {  	[smem:$0x3FBA] =	sst s10  }
0x38: {  	s10 =	sld [smem:$0x3FBB]  }
0x39: {  	_ = 	snop;
	(pc) =	sbr.ind lr, $3  }
0x3a: {  	_ = 	snop  }
0x3b: {  	_ = 	snop  }
0x3c: {  	p2 =	seq.s32 s10, $0x1;
	s10 =	sld [smem:$0x3FBA]  }
0x3d: {  	_ =	shalt  }
0x3e: {  	_ =	shalt  }
0x3f: {  	_ =	shalt  }
0x40: {  	_ =	shalt  }
0x41: {  	_ =	shalt  }
0x42: {  	_ =	shalt  }
0x43: {  	_ =	shalt  }
0x44: {  	_ =	shalt  }
0x45: {  	_ =	shalt  }
0x46: {  	_ =	shalt  }
0x47: {  	_ =	shalt  }
0x48: {  	_ =	shalt  }
0x49: {  	_ =	shalt  }
0x4a: {  	_ =	shalt  }
0x4b: {  	_ =	shalt  }
0x4c: {  	_ =	shalt  }
0x4d: {  	_ =	shalt  }
0x4e: {  	_ =	shalt  }
0x4f: {  	_ =	shalt  }
0x50: {  	_ =	shalt  }
0x51: {  	_ =	shalt  }
0x52: {  	_ =	shalt  }
0x53: {  	_ =	shalt  }
0x54: {  	_ =	shalt  }
0x55: {  	_ =	shalt  }
0x56: {  	_ =	shalt  }
0x57: {  	_ =	shalt  }
0x58: {  	_ =	shalt  }
0x59: {  	_ =	shalt  }
0x5a: {  	_ =	shalt  }
0x5b: {  	_ =	shalt  }
0x5c: {  	_ =	shalt  }
0x5d: {  	_ =	shalt  }
0x5e: {  	_ =	shalt  }
0x5f: {  	_ =	shalt  }
0x60: {  	_ =	shalt  }
0x61: {  	_ =	shalt  }
0x62: {  	_ =	shalt  }
0x63: {  	_ =	shalt  }
0x64: {  	_ =	shalt  }
0x65: {  	_ =	shalt  }
0x66: {  	_ =	shalt  }
0x67: {  	_ =	shalt  }
0x68: {  	_ =	shalt  }
0x69: {  	_ =	shalt  }
0x6a: {  	_ =	shalt  }
0x6b: {  	_ =	shalt  }
0x6c: {  	_ =	shalt  }
0x6d: {  	_ =	shalt  }
0x6e: {  	_ =	shalt  }
0x6f: {  	_ =	shalt  }
0x70: {  	_ =	shalt  }
0x71: {  	_ =	shalt  }
0x72: {  	_ =	shalt  }
0x73: {  	_ =	shalt  }
0x74: {  	_ =	shalt  }
0x75: {  	_ =	shalt  }
0x76: {  	_ =	shalt  }
0x77: {  	_ =	shalt  }
0x78: {  	_ =	shalt  }
0x79: {  	_ =	shalt  }
0x7a: {  	_ =	shalt  }
0x7b: {  	_ =	shalt  }
0x7c: {  	_ =	shalt  }
0x7d: {  	_ =	shalt  }
0x7e: {  	_ =	shalt  }
0x7f: {  	_ =	shalt  }
0x80: {  	_ =	shalt  }
0x81: {  	_ =	shalt  }
0x82: {  	_ =	shalt  }
0x83: {  	_ =	shalt  }
0x84: {  	_ =	shalt  }
0x85: {  	_ =	shalt  }
0x86: {  	_ =	shalt  }
0x87: {  	_ =	shalt  }
.Lfunc_end0:
.L_simem_size_0:
called_computation_lowered:
.L_overlay_start_0:
0x88: {  	s2 =	sld [smem:$0x3FD9]  }
0x89: {  	s3 =	sld [smem:$0x3FFE];
	_ =	sdelay $0x1  }
0x8a: {  	s1 =	srdreg.scid  }
0x8b: {  	s0 =	sand.u32 $0x1, s1  }
0x8c: {  	s17 =	sshll.u32 s0, $0xA;
	s2 =	sadd.s32 s3, s2  }
0x8d: {  	s2 =	sadd.s32 s2, s17  }
0x8e: {  	[smem:$0x3FC6] =	sst s2  }
0x8f: {  	_ = 	snop  }
0x90: {  	s2 =	sld [smem:$0x3FD0];
	(tm) =	ssettm $0x1  }
0x91: {  	s18 =	sld [smem:$0x3FFB];
	_ =	sdelay $0x3  }
0x92: {  	_ =	strace s18  }
0x93: {  	s3 =	sld [smem:$0x3FFC];
	_ =	sdelay $0x3  }
0x94: {  	_ =	strace s3  }
0x95: {  	s3 =	sld [smem:$0x3FFD];
	_ =	sdelay $0x3  }
0x96: {  	_ =	strace s3  }
0x97: {  	_ =	strace $0x8FFFFFFF  }
0x98: {  	s19 =	sld [smem:$0x3FDB];
	_ =	sdelay $0x1  }
0x99: {  	s4 =	simm.s32 $_scs_section_size  }
0x9a: {  	s5 =	simm.s32 $_size__tile_overlayer_lowered;
	s6 =	simm.s32 $_tile_overlayer_lowered  }
0x9b: {  	s22 =	simm.s32 $0x1BFF;
	s21 =	sshll.u32 s6, $0x1;
	s3 =	sadd.s32 s4, s19  }
0x9c: {  	s7 =	simm.s32 $0x0;
	s20 =	sshll.u32 s5, $0x1;
	s5 =	sadd.s32 s21, s3  }
0x9d: {  	[timem:s7], [sflag:s22] =	dma.local [hbm:s5], s20  }
0x9e: {  	_ =	swait.ge [sflag:s22], s20  }
0x9f: {  	s4 =	ssub.s32 $0x0, s20;
	[sflag:s22] =	ssyncset.done $0x0  }
0xa0: {  	[sflag:s22] =	ssyncadd.s32 s4;
	_ =	sdelay $0x1  }
0xa1: {  	s23 =	simm.s32 $0x1B8B  }
0xa2: {  	_ =	swait.ge [sflag:s23], $0x1  }
0xa3: {  	[sflag:s23] =	ssyncset.done $0x0  }
0xa4: {  	s25 =	simm.s32 $0x1B8E;
	s24 =	sld [smem:$0x3FFE];
	[sflag:s23] =	ssyncadd.s32 $0xFFFFFFFF  }
0xa5: {  	s26 =	simm.s32 $execute0_lowered;
	[smem:$0x3FD2] =	sst s25  }
0xa6: {  	s5 =	sshll.u32 s26, $0x1;
	_ =	strace $0x80000046;
	[dreg:$0x1] =	wrdreg $0xFFFFFFFF  }
0xa7: {  	s28 =	simm.s32 $_size_execute0_lowered;
	s3 =	sadd.s32 s3, s5;
	[dreg:$0x0] =	wrdreg $0x0  }
0xa8: {  	s5 =	sshll.u32 s28, $0x1;
	[dreg:$0x2] =	wrdreg s3  }
0xa9: {  	[dreg:$0x3] =	wrdreg s5  }
0xaa: {  	[dreg:$0x4] =	wrdreg $0xC0  }
0xab: {  	_ =	task [dreg:s7], $0x5FFFF  }
0xac: {  	[dreg:$0x1] =	wrdreg $0xFFFFFFFF  }
0xad: {  	[dreg:$0x0] =	wrdreg $0x60  }
0xae: {  	[dreg:$0x2] =	wrdreg s2  }
0xaf: {  	[dreg:$0x3] =	wrdreg s24  }
0xb0: {  	[dreg:$0x4] =	wrdreg $0x13800  }
0xb1: {  	[dreg:$0x5] =	wrdreg $0x9  }
0xb2: {  	_ =	task.clear_ibuf [dreg:s7], $0x6FFFF;
	_ =	strace $0x90000046  }
0xb3: {  	s29 =	simm.s32 $0x9;
	_ =	strace $0x80000048  }
0xb4: {  	_ =	swait.ge [sflag:s29], $0x1  }
0xb5: {  	[sflag:s29] =	ssyncadd.s32 $0xFFFFFFFF  }
0xb6: {  	_ =	strace $0x90000048  }
0xb7: {  	_ =	sfence  }
0xb8: {  	s30 =	sld [smem:$0x0];
	_ =	sdelay $0x2  }
0xb9: {  	s31 =	sshll.u32 s1, $0xD;
	s1 =	sshrl.u32 s1, $0x2  }
0xba: {  	s3 =	sand.u32 $0x4000, s31;
	s1 =	sadd.s32 s1, s30  }
0xbb: {  	s0 =	sor.u32 s3, s0;
	s1 =	sshll.u32 s1, $0x11  }
0xbc: {  	s0 =	sor.u32 s1, s0  }
0xbd: {  	s0 =	sadd.s32 $0x8F2B, s0  }
0xbe: {  	[sflag:s0] =	ssyncadd.remote.s32 $0x1  }
0xbf: {  	_ =	sfence.sel $0xFFFF  }
0xc0: {  	[dreg:$0x0] =	wrdreg $0xFFFFFFFF;
	(pc) =	sbr.abs _section_cstart, $3  }
0xc1: {  	[dreg:$0x1] =	wrdreg $0xFFFFFFFF  }
0xc2: {  	_ =	task.clear_ibuf [dreg:s7], $0x2FFFF;
	_ =	strace $0x9FFFFFFF  }
0xc3: {  	(tm) =	ssettm $0x7FFFFFFF  }
tec
execute0_lowered:
.L_overlay_start_1:
0x0: {  	(tag) =	ssettag $0x1  }
0x1: {  	s5 =	rddreg [dreg:$0x0]  }
0x2: {  	s3 =	rddreg [dreg:$0x1]  }
0x3: {  	s1 =	rddreg [dreg:$0x2]  }
0x4: {  	s0 =	rddreg [dreg:$0x3]  }
0x5: {  	s2 =	simm.s32 $0x0;
	s4 =	srdreg.scid;
	s10 =	simm.s32 $0x1080  }
0x6: {  	[smem:$0x7FF] =	sst s2;
	s7 =	sand.u32 $0x1, s4;
	s4 =	sadd.s32 $0xA00, s3  }
0x7: {  	s3 =	stileid.u32;
	_ =	strace $0x80000047;
	s6 =	ssub.s32 $0x2, s7  }
0x8: {  	v0 =	vlaneseq.u32;
	s31 =	sshll.u32 s3, $0x8;
	s9 =	sshll.u32 s3, $0x5;
	s11 =	sor.u32 s3, s7  }
0x9: {  	v2 =	vmul.u32 $0xFFFFFFFF, v0;
	s8 =	sshrl.u32 s6, $0x1;
	s5 =	sadd.s32 s5, s31;
	p0 =	sne.s32 s11, $0x0  }
0xa: {  	v1 =	vimm.s32 $0x1;
	s11 =	simm.s32 $0x0;
	s8 =	ssub.s32 s6, s8;
	s6 =	sadd.s32 s9, s1  }
0xb: {  	vm0 =	vmmov $0x1;
	v0 =	vimm.s32 $0x0;
	v2 =	vadd.s32 $0xF, v2;
	s9 =	simm.s32 $0x1000;
	s7 =	smax.u32 s8, $0x1;
	s8 =	simm.s32 $0x1  }
.LBB2_1:
0xc: {  	[tilespmem:s2], [sflag:$0x1] =	stream.linear.gather [hbm4b:s5+s2], $0x800, $0x38;
	[tilespmem:$0x13A0] =	vst v63  }
0xd: {  	_ =	swait.ge [sflag:s8], $0x800  }
0xe: {  	[sflag:s8] =	ssyncset.done $0x0  }
0xf: {  	s12 =	simm.s32 $0x0;
	[sflag:s8] =	ssyncadd.s32 $0xFFFFF800  }
0x10: {  	v3 =	vld [tilespmem:s12+$0x0]  }
0x11: {  	s13 =	simm.s32 $0x40  }
.LBB2_2:
0x12: {  	p1 =	sne.s32 s13, $0x1FC0  }
.Ltmp0:
0x13: {  	_ = 	snop;
	(pc) =	sbr.rel @p1 .LBB2_2-.Ltmp0, $4  }
0x14: {  	_ = 	snop  }
0x15: {  	s14 =	sshra.s32 s13, $0x2;
	s13 =	sadd.s32 $0x40, s13;
	vm1 =	vlt.s32 v3, $0x0;
	v4 =	vxor.u32 $0xFFFFFFFF, v3;
	v5 =	vor.u32 $0x80000000, v3  }
0x16: {  	v3 =	vld [tilespmem:s14+$0x0];
	v4 =	vsel vm1, v4, v5  }
0x17: {  	[tilespmem:s12+$0x800] =	vst v4;
	s12 =	smov.u32 s14  }
0x18: {  	_ =	sdelay $0x2  }
0x19: {  	vm1 =	vlt.s32 v3, $0x0;
	v4 =	vxor.u32 $0xFFFFFFFF, v3;
	v3 =	vor.u32 $0x80000000, v3  }
0x1a: {  	v3 =	vsel vm1, v4, v3  }
0x1b: {  	[tilespmem:s12+$0x800] =	vst v3;
	v3 =	vimm.s32 $0x0  }
0x1c: {  	s12 =	simm.s32 $0x0;
	[tilespmem:$0x1280] =	vst v3  }
.LBB2_4:
0x1d: {  	s13 =	sshll.u32 s12, $0x2  }
0x1e: {  	[tilespmem:$0x1000] =	vst v0;
	s13 =	ssub.s32 $0x1C, s13  }
0x1f: {  	[tilespmem:$0x1010] =	vst v0;
	s14 =	simm.s32 $0x0;
	v4 =	vmov s13;
	s13 =	simm.s32 $0x40  }
.LBB2_5:
0x20: {  	p1 =	sne.s32 s13, $0x1FC0;
	v5 =	vld [tilespmem:s14+$0x800];
	_ =	sdelay $0x4  }
0x21: {  	v6 =	vsub.s32 v5, v3  }
0x22: {  	vm1 =	vge.u32 v5, v3;
	v5 =	vshrl.u32 v6, v4  }
0x23: {  	v5 =	vmin.u32 v5, $0x10  }
.Ltmp1:
0x24: {  	(pc) =	sbr.rel @p1 .LBB2_5-.Ltmp1, $2  }
0x25: {  	_ =	sdelay $0x2  }
0x26: {  	s14 =	sshra.s32 s13, $0x2;
	s13 =	sadd.s32 $0x40, s13;
	[tilespmem:v5+s9+$0x0] =	vst.idx.add.s32.msk vm1, v1  }
0x27: {  	v5 =	vld [tilespmem:s14+$0x800];
	_ =	sdelay $0x4  }
0x28: {  	v6 =	vsub.s32 v5, v3  }
0x29: {  	vm1 =	vge.u32 v5, v3;
	v5 =	vshrl.u32 v6, v4  }
0x2a: {  	v5 =	vmin.u32 v5, $0x10;
	_ =	sdelay $0x4  }
0x2b: {  	[tilespmem:v5+s9+$0x0] =	vst.idx.add.s32.msk vm1, v1  }
0x2c: {  	[spmem:s6] =	stream.linear.scatter [tilespmem:s9], [sflag:$0x1], $0x20, $0x38;
	[tilespmem:$0x13A0] =	vst v63  }
0x2d: {  	_ =	swait.ge [sflag:s8], $0x20  }
0x2e: {  	[sflag:s8] =	ssyncset.done $0x0  }
0x2f: {  	[sflag:s8] =	ssyncadd.s32 $0xFFFFFFE0  }
0x30: {  	[bflag:$0x0] =	sbarrier.arrive $0xFFFF  }
0x31: {  	[tilespmem:s10], [sflag:$0x1] =	stream.linear.gather [spmem:s1], $0x200, $0x38;
	[tilespmem:$0x13A0] =	vst v63  }
0x32: {  	_ =	swait.ge [sflag:s8], $0x200  }
0x33: {  	[sflag:s8] =	ssyncset.done $0x0  }
0x34: {  	[sflag:s8] =	ssyncadd.s32 $0xFFFFFE00  }
0x35: {  	[bflag:$0x0] =	sbarrier.arrive $0xFFFF  }
0x36: {  	v5 =	vld [tilespmem:$0x1080]  }
0x37: {  	v52 =	vld [tilespmem:$0x1090]  }
0x38: {  	v7 =	vld [tilespmem:$0x10A0]  }
0x39: {  	v8 =	vld [tilespmem:$0x10B0]  }
0x3a: {  	v9 =	vld [tilespmem:$0x10C0]  }
0x3b: {  	v10 =	vld [tilespmem:$0x10D0]  }
0x3c: {  	v11 =	vld [tilespmem:$0x10E0]  }
0x3d: {  	v12 =	vld [tilespmem:$0x10F0]  }
0x3e: {  	v13 =	vld [tilespmem:$0x1100]  }
0x3f: {  	v14 =	vld [tilespmem:$0x1110]  }
0x40: {  	v15 =	vld [tilespmem:$0x1120]  }
0x41: {  	v16 =	vld [tilespmem:$0x1130]  }
0x42: {  	v17 =	vld [tilespmem:$0x1140]  }
0x43: {  	v18 =	vld [tilespmem:$0x1150]  }
0x44: {  	v19 =	vld [tilespmem:$0x1160]  }
0x45: {  	v20 =	vld [tilespmem:$0x1170]  }
0x46: {  	v21 =	vld [tilespmem:$0x1180]  }
0x47: {  	v22 =	vld [tilespmem:$0x1190]  }
0x48: {  	v23 =	vld [tilespmem:$0x11A0]  }
0x49: {  	v24 =	vld [tilespmem:$0x11B0]  }
0x4a: {  	v25 =	vld [tilespmem:$0x11C0]  }
0x4b: {  	v26 =	vld [tilespmem:$0x11D0]  }
0x4c: {  	v53 =	vld [tilespmem:$0x11E0];
	v5 =	vadd.s32 v5, v7;
	v6 =	vadd.s32 v52, v8  }
0x4d: {  	v54 =	vld [tilespmem:$0x11F0];
	v5 =	vadd.s32 v9, v5;
	v6 =	vadd.s32 v10, v6  }
0x4e: {  	v55 =	vld [tilespmem:$0x1200];
	v5 =	vadd.s32 v11, v5;
	v6 =	vadd.s32 v12, v6  }
0x4f: {  	v56 =	vld [tilespmem:$0x1210];
	v5 =	vadd.s32 v13, v5;
	v6 =	vadd.s32 v14, v6  }
0x50: {  	v57 =	vld [tilespmem:$0x1220];
	v5 =	vadd.s32 v15, v5;
	v6 =	vadd.s32 v16, v6  }
0x51: {  	v58 =	vld [tilespmem:$0x1230];
	v5 =	vadd.s32 v17, v5;
	v6 =	vadd.s32 v18, v6  }
0x52: {  	v59 =	vld [tilespmem:$0x1240];
	v5 =	vadd.s32 v19, v5;
	v6 =	vadd.s32 v20, v6  }
0x53: {  	v60 =	vld [tilespmem:$0x1250];
	v5 =	vadd.s32 v21, v5;
	v6 =	vadd.s32 v22, v6  }
0x54: {  	v61 =	vld [tilespmem:$0x1260];
	v5 =	vadd.s32 v23, v5;
	v6 =	vadd.s32 v24, v6  }
0x55: {  	v62 =	vld [tilespmem:$0x1270];
	v5 =	vadd.s32 v25, v5;
	v6 =	vadd.s32 v26, v6  }
0x56: {  	v5 =	vadd.s32 v53, v5;
	v6 =	vadd.s32 v54, v6  }
0x57: {  	v5 =	vadd.s32 v55, v5;
	v6 =	vadd.s32 v56, v6  }
0x58: {  	v5 =	vadd.s32 v57, v5;
	v6 =	vadd.s32 v58, v6  }
0x59: {  	v5 =	vadd.s32 v59, v5;
	v6 =	vadd.s32 v60, v6  }
0x5a: {  	v5 =	vadd.s32 v61, v5;
	v6 =	vadd.s32 v62, v6  }
0x5b: {  	v6 =	vnsel vm0, $0x0, v6;
	v5 =	vperm.xlane v5, v2  }
0x5c: {  	(xrf0) =	vadd.scan.msk.s32 $0xffff, v6  }
0x5d: {  	(xrf0) =	vadd.scan.msk.s32 $0xffff, v5;
	_ =	sdelay $0x4  }
0x5e: {  	v5, _, _ =	vpop (xrf0)  }
0x5f: {  	v63, _, _ =	vpop (xrf0)  }
0x60: {  	v5 =	vbroadcast v5, $0xF;
	v6 =	vperm.xlane v63, v2;
	_ =	sdelay $0x1  }
0x61: {  	v5 =	vadd.s32 v6, v5  }
0x62: {  	s12 =	sadd.s32 $0x1, s12;
	vm1 =	vgt.s32 v5, $0xFFF  }
0x63: {  	p1 =	sne.s32 s12, $0x8;
	v5 =	vmpcnt.ones.xlane vm1  }
.Ltmp2:
0x64: {  	_ = 	snop;
	(pc) =	sbr.rel @p1 .LBB2_4-.Ltmp2, $4  }
0x65: {  	v5 =	vadd.s32 $0xFFFFFFFF, v5  }
0x66: {  	v4 =	vshll.u32 v5, v4  }
0x67: {  	v3 =	vor.u32 v3, v4  }
0x68: {  	[tilespmem:$0x1280] =	vst v3  }
0x69: {  	[tilespmem:$0x1300] =	vst @!p0 v3  }
0x6a: {  	[tilespmem:$0x1310] =	vst @!p0 v3  }
0x6b: {  	[tilespmem:$0x1320] =	vst @!p0 v3  }
0x6c: {  	[tilespmem:$0x1330] =	vst @!p0 v3  }
0x6d: {  	[tilespmem:$0x1340] =	vst @!p0 v3  }
0x6e: {  	[tilespmem:$0x1350] =	vst @!p0 v3  }
0x6f: {  	[tilespmem:$0x1360] =	vst @!p0 v3  }
0x70: {  	[tilespmem:$0x1370] =	vst @!p0 v3;
	s12 =	simm.s32 @!p0 $0x0;
	s13 =	simm.s32 @!p0 $0x1300;
	s11 =	sadd.s32 $0x1, s11  }
0x71: {  	[hbm4b:s4+s12] =	stream.linear.scatter @!p0 [tilespmem:s13], [sflag:$0x1], $0x80, $0x38;
	[tilespmem:$0x13A0] =	vst v63  }
0x72: {  	p1 =	sne.s32 s11, s7  }
.Ltmp3:
0x73: {  	_ = 	snop;
	(pc) =	sbr.rel @p1 .LBB2_1-.Ltmp3, $4  }
0x74: {  	s12 =	simm.s32 @!p0 $0x1  }
0x75: {  	_ =	swait.ge @!p0 [sflag:s12], $0x80  }
0x76: {  	[sflag:s12] =	ssyncset.done @!p0 $0x0  }
0x77: {  	[sflag:s12] =	ssyncadd.s32 @!p0 $0xFFFFFF80  }
0x78: {  	_ =	sfence.sel $0x180000  }
0x79: {  	[bflag:$0x0] =	sbarrier.arrive $0xFFFF  }
0x7a: {  	p0 =	sne.s32 s3, $0x0;
	_ =	strace $0x90000047  }
0x7b: {  	s0 =	sadd.s32 @!p0 $0x100000, s0;
	[bflag:$0x2] =	sbarrier.arrive $0xFFFF  }
0x7c: {  	[sflag:s0] =	ssyncadd.tile.s32 @!p0 $0x1;
	_ =	shalt  }
.Lfunc_end2:
_tile_overlayer_lowered:
.L_overlay_start_2:
0x7d: {  	(tag) =	ssettag $0x2  }
0x7e: {  	s0 =	rddreg [dreg:$0x0];
	s2 =	stileid.u32  }
0x7f: {  	s1 =	rddreg [dreg:$0x1];
	p0 =	sne.s32 s2, $0x0  }
0x80: {  	s3 =	rddreg [dreg:$0x2];
	[bflag:$0x3] =	sbarrier.arrive $0xFFFF;
	s2 =	simm.s32 @!p0 $0x1C01  }
0x81: {  	[timem:s3], [sflag:s2] =	dma.local @!p0 [hbm:s0], s1  }
0x82: {  	s0 =	simm.s32 @!p0 $0x1  }
0x83: {  	_ =	swait.ge @!p0 [sflag:s0], s1  }
0x84: {  	s1 =	ssub.s32 @!p0 $0x0, s1;
	[sflag:s0] =	ssyncset.done @!p0 $0x0  }
0x85: {  	[sflag:s0] =	ssyncadd.s32 @!p0 s1  }
0x86: {  	[bflag:$0x3] =	sbarrier.arrive $0xFFFF  }
0x87: {  	_ =	shalt  }

</sc_bundles>
